<compile_context>
chip_gen: v7x
topology: tpu7x:2x2x1
jax: 0.10.2.dev20260603
libtpu: 0.0.44.dev20260713+nightly
codegen_flags: <defaults>
</compile_context>

<pallas_src>
import functools

import jax
import jax.numpy as jnp
from jax import lax
from jax.experimental import pallas as pl
from jax.experimental.pallas import tpu as pltpu
from jax.experimental.pallas import tpu_sc as plsc

NC = 2
NS = 16
NW = NC * NS
CHUNK = 32
RING = 4


@functools.lru_cache(maxsize=None)
def _make_lookup(Bt, S, D):
    B = Bt * S
    b_per_w = B // NW
    w_per_row = S // b_per_w
    n_chunks = b_per_w // CHUNK
    assert n_chunks > RING
    mesh = plsc.VectorSubcoreMesh(core_axis_name="c", subcore_axis_name="s")

    @functools.partial(
        pl.kernel,
        mesh=mesh,
        out_type=jax.ShapeDtypeStruct((B, D), jnp.float32),
        scratch_types=[
            pltpu.VMEM((b_per_w,), jnp.int32),
            pltpu.VMEM((RING * CHUNK, D), jnp.float32),
            pltpu.SemaphoreType.DMA,
            pltpu.SemaphoreType.DMA,
        ],
    )
    def lookup(idx_hbm, table_hbm, out_hbm, idx_v, rows, gsem, ssem):
        wid = lax.axis_index("s") * NC + lax.axis_index("c")
        base = wid * b_per_w
        pltpu.sync_copy(
            idx_hbm.at[wid // w_per_row,
                       pl.ds((wid % w_per_row) * b_per_w, b_per_w)],
            idx_v)

        def gather(j):
            slot = lax.rem(j, RING)
            pltpu.async_copy(
                table_hbm.at[idx_v.at[pl.ds(j * CHUNK, CHUNK)]],
                rows.at[pl.ds(slot * CHUNK, CHUNK)], gsem)

        def store(j):
            slot = lax.rem(j, RING)
            pltpu.async_copy(
                rows.at[pl.ds(slot * CHUNK, CHUNK)],
                out_hbm.at[pl.ds(base + j * CHUNK, CHUNK)], ssem)

        def wait_gather():
            pltpu.make_async_copy(
                table_hbm.at[pl.ds(0, CHUNK)],
                rows.at[pl.ds(0, CHUNK)], gsem).wait()

        def wait_store():
            pltpu.make_async_copy(
                rows.at[pl.ds(0, CHUNK)],
                out_hbm.at[pl.ds(base, CHUNK)], ssem).wait()

        for j in range(RING - 1):
            gather(j)

        def body(j, carry):
            wait_gather()
            store(j)

            @pl.when(j > 0)
            def _():
                wait_store()

            @pl.when(j + RING - 1 < n_chunks)
            def _():
                gather(j + RING - 1)

            return carry

        lax.fori_loop(0, n_chunks, body, 0)
        wait_store()

    return lookup


def kernel(input_ids, embed):
    Bt, S = input_ids.shape
    D = embed.shape[1]
    ids = input_ids.astype(jnp.int32)
    out = _make_lookup(Bt, S, D)(ids, embed)
    return out.reshape(Bt, S, D)

# --- scband reference (transcript-rebuilt; emitter-appended) ---
"""Pipeline reference for scband-embed-4629974745703 (READ-ONLY COPY).

The authoritative reference and input builder live on the scoring server;
editing this copy changes nothing except your own understanding.
"""

import jax, jax.numpy as jnp
import numpy as np

D_VOCAB = 100000
D_MODEL = 768
INIT_RANGE = 0.02
BATCH = 4
SEQ = 4096


def setup_inputs(seed: int = 0) -> dict:
    key = jax.random.key(seed)
    k_ids, k_emb = jax.random.split(key)
    input_ids = jax.random.randint(k_ids, (BATCH, SEQ), 0, D_VOCAB, dtype=jnp.int64 if jax.config.jax_enable_x64 else jnp.int32)
    embed = jax.random.normal(k_emb, (D_VOCAB, D_MODEL), dtype=jnp.float32) * INIT_RANGE
    return {"input_ids": input_ids, "embed": embed}


def reference(input_ids, embed):
    # Faithful translation of: return self.embed[input_ids]
    return jnp.take(embed, input_ids, axis=0)

if __name__ == "__main__":
    import jax
    _d = setup_inputs()
    print(jax.jit(kernel)(*tuple(_d.values())))

</pallas_src>

<mosaic_0001>
#map = affine_map<(d0, d1) -> (0, 0)>
module attributes {stable_mosaic.version = 14 : i64} {
  func.func @lookup(%arg0: i32, %arg1: i32, %arg2: memref<4x4096xi32, #tpu.memory_space<hbm>>, %arg3: memref<100000x768xf32, #tpu.memory_space<hbm>>, %arg4: memref<16384x768xf32, #tpu.memory_space<hbm>>, %arg5: memref<512xi32, #tpu.memory_space<vmem>>, %arg6: memref<128x768xf32, #tpu.memory_space<vmem>>, %arg7: memref<!tpu.dma_semaphore, #tpu.memory_space<semaphore_mem>>, %arg8: memref<!tpu.dma_semaphore, #tpu.memory_space<semaphore_mem>>) attributes {dimension_semantics = [#tpu.dimension_semantics<core_parallel>, #tpu.dimension_semantics<subcore_parallel>], iteration_bounds = array<i64: 2, 16>, scalar_prefetch = 0 : i64, scratch_operands = 4 : i64, tpu.core_type = #tpu.core_type<sc_vector_subcore>, window_params = [{transform_indices = #map}, {transform_indices = #map}, {transform_indices = #map}]} {
    %mul3A = arith.constant 2 : i32
    %mul3A_0 = arith.muli %arg1, %mul3A : i32
    %add3A = arith.addi %mul3A_0, %arg0 : i32
    %mul3A_1 = arith.constant 512 : i32
    %mul3A_2 = arith.muli %add3A, %mul3A_1 : i32
    %jit3A = arith.constant 8 : i32
    %div3A = arith.divsi %add3A, %jit3A : i32
    %sign3A = arith.constant 0 : i32
    %sign3A_3 = arith.cmpi sgt, %add3A, %sign3A : i32
    %sign3A_4 = arith.extui %sign3A_3 : i1 to i32
    %sign3A_5 = arith.constant 0 : i32
    %sign3A_6 = arith.cmpi slt, %add3A, %sign3A_5 : i32
    %sign3A_7 = arith.extui %sign3A_6 : i1 to i32
    %sign3A_8 = arith.subi %sign3A_4, %sign3A_7 : i32
    %sign3A_9 = arith.constant 0 : i32
    %sign3A_10 = arith.cmpi sgt, %jit3A, %sign3A_9 : i32
    %sign3A_11 = arith.extui %sign3A_10 : i1 to i32
    %sign3A_12 = arith.constant 0 : i32
    %sign3A_13 = arith.cmpi slt, %jit3A, %sign3A_12 : i32
    %sign3A_14 = arith.extui %sign3A_13 : i1 to i32
    %sign3A_15 = arith.subi %sign3A_11, %sign3A_14 : i32
    %ne3A = arith.cmpi ne, %sign3A_8, %sign3A_15 : i32
    %rem3A = arith.remsi %add3A, %jit3A : i32
    %ne3A_16 = arith.constant 0 : i32
    %ne3A_17 = arith.cmpi ne, %rem3A, %ne3A_16 : i32
    %and3A = arith.andi %ne3A, %ne3A_17 : i1
    %sub3A = arith.constant 1 : i32
    %sub3A_18 = arith.subi %div3A, %sub3A : i32
    %select_n3A = arith.select %and3A, %sub3A_18, %div3A : i32
    %jit3A_19 = arith.constant 8 : i32
    %eq3A = arith.constant 0 : i32
    %eq3A_20 = arith.cmpi eq, %jit3A_19, %eq3A : i32
    %jit3A_21 = arith.constant 1 : i32
    %select_n3A_22 = arith.select %eq3A_20, %jit3A_21, %jit3A_19 : i32
    %rem3A_23 = arith.remsi %add3A, %select_n3A_22 : i32
    %ne3A_24 = arith.constant 0 : i32
    %ne3A_25 = arith.cmpi ne, %rem3A_23, %ne3A_24 : i32
    %lt3A = arith.constant 0 : i32
    %lt3A_26 = arith.cmpi slt, %rem3A_23, %lt3A : i32
    %lt3A_27 = arith.constant 0 : i32
    %lt3A_28 = arith.cmpi slt, %select_n3A_22, %lt3A_27 : i32
    %ne3A_29 = arith.xori %lt3A_26, %lt3A_28 : i1
    %and3A_30 = arith.andi %ne3A_29, %ne3A_25 : i1
    %add3A_31 = arith.addi %rem3A_23, %select_n3A_22 : i32
    %select_n3A_32 = arith.select %and3A_30, %add3A_31, %rem3A_23 : i32
    %mul3A_33 = arith.constant 512 : i32
    %mul3A_34 = arith.muli %select_n3A_32, %mul3A_33 : i32
    "tpu.region"() ({
      %run_scoped3A = tpu.sem_alloc : memref<!tpu.dma_semaphore, #tpu.memory_space<semaphore_mem>>
      %dma_start3A_84 = tpu.memref_slice %arg2[%select_n3A, %mul3A_34] : memref<4x4096xi32, #tpu.memory_space<hbm>> -> memref<1x512xi32, #tpu.memory_space<hbm>>
      %dma_start3A_85 = tpu.memref_squeeze %dma_start3A_84 : memref<1x512xi32, #tpu.memory_space<hbm>> -> memref<512xi32, #tpu.memory_space<hbm>>
      %dma_start3A_86 = tpu.memref_slice %arg2[%select_n3A, %mul3A_34] : memref<4x4096xi32, #tpu.memory_space<hbm>> -> memref<1x512xi32, #tpu.memory_space<hbm>>
      %dma_start3A_87 = tpu.memref_squeeze %dma_start3A_86 : memref<1x512xi32, #tpu.memory_space<hbm>> -> memref<512xi32, #tpu.memory_space<hbm>>
      tpu.enqueue_dma source(%dma_start3A_87 : memref<512xi32, #tpu.memory_space<hbm>>) target(%arg5 : memref<512xi32, #tpu.memory_space<vmem>>) target_semaphore(%run_scoped3A : memref<!tpu.dma_semaphore, #tpu.memory_space<semaphore_mem>>)
      %dma_wait3A_88 = tpu.memref_slice %arg2[%select_n3A, %mul3A_34] : memref<4x4096xi32, #tpu.memory_space<hbm>> -> memref<1x512xi32, #tpu.memory_space<hbm>>
      %dma_wait3A_89 = tpu.memref_squeeze %dma_wait3A_88 : memref<1x512xi32, #tpu.memory_space<hbm>> -> memref<512xi32, #tpu.memory_space<hbm>>
      %dma_wait3A_90 = tpu.memref_slice %arg2[%select_n3A, %mul3A_34] : memref<4x4096xi32, #tpu.memory_space<hbm>> -> memref<1x512xi32, #tpu.memory_space<hbm>>
      %dma_wait3A_91 = tpu.memref_squeeze %dma_wait3A_90 : memref<1x512xi32, #tpu.memory_space<hbm>> -> memref<512xi32, #tpu.memory_space<hbm>>
      tpu.wait_dma2 semaphore(%run_scoped3A : memref<!tpu.dma_semaphore, #tpu.memory_space<semaphore_mem>>) src(%dma_wait3A_91 : memref<512xi32, #tpu.memory_space<hbm>>) dst(%arg5 : memref<512xi32, #tpu.memory_space<vmem>>)
      tpu.yield
    }) : () -> ()
    %rem3A_35 = arith.constant 0 : i32
    %rem3A_36 = arith.constant 4 : i32
    %rem3A_37 = arith.remsi %rem3A_35, %rem3A_36 : i32
    %mul3A_38 = arith.constant 32 : i32
    %mul3A_39 = arith.muli %rem3A_37, %mul3A_38 : i32
    %dma_start3A = arith.constant 0 : i32
    %dma_start3A_40 = tpu.memref_slice %arg6[%mul3A_39, %dma_start3A] : memref<128x768xf32, #tpu.memory_space<vmem>> -> memref<32x768xf32, #tpu.memory_space<vmem>>
    %dma_start3A_41 = arith.constant 0 : i32
    %dma_start3A_42 = tpu.memref_slice %arg5[%dma_start3A_41] : memref<512xi32, #tpu.memory_space<vmem>> -> memref<32xi32, #tpu.memory_space<vmem>>
    %dma_start3A_43 = arith.constant 0 : i32
    %dma_start3A_44 = arith.constant 0 : i32
    %dma_start3A_45 = tpu.memref_slice %arg3[%dma_start3A_43, %dma_start3A_44] : memref<100000x768xf32, #tpu.memory_space<hbm>> -> memref<100000x768xf32, #tpu.memory_space<hbm>>
    tpu.enqueue_indirect_dma source(%dma_start3A_45 : memref<100000x768xf32, #tpu.memory_space<hbm>>) target(%dma_start3A_40 : memref<32x768xf32, #tpu.memory_space<vmem>>) offsets(%dma_start3A_42 : memref<32xi32, #tpu.memory_space<vmem>>) semaphore(%arg7 : memref<!tpu.dma_semaphore, #tpu.memory_space<semaphore_mem>>)
    %rem3A_46 = arith.constant 1 : i32
    %rem3A_47 = arith.constant 4 : i32
    %rem3A_48 = arith.remsi %rem3A_46, %rem3A_47 : i32
    %mul3A_49 = arith.constant 32 : i32
    %mul3A_50 = arith.muli %rem3A_48, %mul3A_49 : i32
    %dma_start3A_51 = arith.constant 0 : i32
    %dma_start3A_52 = tpu.memref_slice %arg6[%mul3A_50, %dma_start3A_51] : memref<128x768xf32, #tpu.memory_space<vmem>> -> memref<32x768xf32, #tpu.memory_space<vmem>>
    %dma_start3A_53 = arith.constant 32 : i32
    %dma_start3A_54 = tpu.memref_slice %arg5[%dma_start3A_53] : memref<512xi32, #tpu.memory_space<vmem>> -> memref<32xi32, #tpu.memory_space<vmem>>
    %dma_start3A_55 = arith.constant 0 : i32
    %dma_start3A_56 = arith.constant 0 : i32
    %dma_start3A_57 = tpu.memref_slice %arg3[%dma_start3A_55, %dma_start3A_56] : memref<100000x768xf32, #tpu.memory_space<hbm>> -> memref<100000x768xf32, #tpu.memory_space<hbm>>
    tpu.enqueue_indirect_dma source(%dma_start3A_57 : memref<100000x768xf32, #tpu.memory_space<hbm>>) target(%dma_start3A_52 : memref<32x768xf32, #tpu.memory_space<vmem>>) offsets(%dma_start3A_54 : memref<32xi32, #tpu.memory_space<vmem>>) semaphore(%arg7 : memref<!tpu.dma_semaphore, #tpu.memory_space<semaphore_mem>>)
    %rem3A_58 = arith.constant 2 : i32
    %rem3A_59 = arith.constant 4 : i32
    %rem3A_60 = arith.remsi %rem3A_58, %rem3A_59 : i32
    %mul3A_61 = arith.constant 32 : i32
    %mul3A_62 = arith.muli %rem3A_60, %mul3A_61 : i32
    %dma_start3A_63 = arith.constant 0 : i32
    %dma_start3A_64 = tpu.memref_slice %arg6[%mul3A_62, %dma_start3A_63] : memref<128x768xf32, #tpu.memory_space<vmem>> -> memref<32x768xf32, #tpu.memory_space<vmem>>
    %dma_start3A_65 = arith.constant 64 : i32
    %dma_start3A_66 = tpu.memref_slice %arg5[%dma_start3A_65] : memref<512xi32, #tpu.memory_space<vmem>> -> memref<32xi32, #tpu.memory_space<vmem>>
    %dma_start3A_67 = arith.constant 0 : i32
    %dma_start3A_68 = arith.constant 0 : i32
    %dma_start3A_69 = tpu.memref_slice %arg3[%dma_start3A_67, %dma_start3A_68] : memref<100000x768xf32, #tpu.memory_space<hbm>> -> memref<100000x768xf32, #tpu.memory_space<hbm>>
    tpu.enqueue_indirect_dma source(%dma_start3A_69 : memref<100000x768xf32, #tpu.memory_space<hbm>>) target(%dma_start3A_64 : memref<32x768xf32, #tpu.memory_space<vmem>>) offsets(%dma_start3A_66 : memref<32xi32, #tpu.memory_space<vmem>>) semaphore(%arg7 : memref<!tpu.dma_semaphore, #tpu.memory_space<semaphore_mem>>)
    %scan3A = arith.constant 0 : i32
    %scan3A_70 = arith.constant 0 : i32
    %scan3A_71 = arith.constant 16 : i32
    %scan3A_72 = arith.addi %scan3A_70, %scan3A_71 : i32
    %scan3A_73 = arith.constant 1 : i32
    scf.for %scan3A_84 = %scan3A_70 to %scan3A_72 step %scan3A_73  : i32 {
      %dma_wait3A_85 = arith.constant 0 : i32
      %dma_wait3A_86 = arith.constant 0 : i32
      %dma_wait3A_87 = tpu.memref_slice %arg6[%dma_wait3A_85, %dma_wait3A_86] : memref<128x768xf32, #tpu.memory_space<vmem>> -> memref<32x768xf32, #tpu.memory_space<vmem>>
      %dma_wait3A_88 = arith.constant 0 : i32
      %dma_wait3A_89 = arith.constant 0 : i32
      %dma_wait3A_90 = tpu.memref_slice %arg3[%dma_wait3A_88, %dma_wait3A_89] : memref<100000x768xf32, #tpu.memory_space<hbm>> -> memref<32x768xf32, #tpu.memory_space<hbm>>
      %dma_wait3A_91 = arith.constant 0 : i32
      %dma_wait3A_92 = arith.constant 0 : i32
      %dma_wait3A_93 = tpu.memref_slice %arg6[%dma_wait3A_91, %dma_wait3A_92] : memref<128x768xf32, #tpu.memory_space<vmem>> -> memref<32x768xf32, #tpu.memory_space<vmem>>
      %dma_wait3A_94 = arith.constant 0 : i32
      %dma_wait3A_95 = arith.constant 0 : i32
      %dma_wait3A_96 = tpu.memref_slice %arg3[%dma_wait3A_94, %dma_wait3A_95] : memref<100000x768xf32, #tpu.memory_space<hbm>> -> memref<32x768xf32, #tpu.memory_space<hbm>>
      tpu.wait_dma2 semaphore(%arg7 : memref<!tpu.dma_semaphore, #tpu.memory_space<semaphore_mem>>) src(%dma_wait3A_96 : memref<32x768xf32, #tpu.memory_space<hbm>>) dst(%dma_wait3A_93 : memref<32x768xf32, #tpu.memory_space<vmem>>)
      %rem3A_97 = arith.constant 4 : i32
      %rem3A_98 = arith.remsi %scan3A_84, %rem3A_97 : i32
      %mul3A_99 = arith.constant 32 : i32
      %mul3A_100 = arith.muli %rem3A_98, %mul3A_99 : i32
      %mul3A_101 = arith.constant 32 : i32
      %mul3A_102 = arith.muli %scan3A_84, %mul3A_101 : i32
      %add3A_103 = arith.addi %mul3A_2, %mul3A_102 : i32
      %dma_start3A_104 = arith.constant 0 : i32
      %dma_start3A_105 = tpu.memref_slice %arg6[%mul3A_100, %dma_start3A_104] : memref<128x768xf32, #tpu.memory_space<vmem>> -> memref<32x768xf32, #tpu.memory_space<vmem>>
      %dma_start3A_106 = arith.constant 0 : i32
      %dma_start3A_107 = tpu.memref_slice %arg4[%add3A_103, %dma_start3A_106] : memref<16384x768xf32, #tpu.memory_space<hbm>> -> memref<32x768xf32, #tpu.memory_space<hbm>>
      %dma_start3A_108 = arith.constant 0 : i32
      %dma_start3A_109 = tpu.memref_slice %arg4[%add3A_103, %dma_start3A_108] : memref<16384x768xf32, #tpu.memory_space<hbm>> -> memref<32x768xf32, #tpu.memory_space<hbm>>
      %dma_start3A_110 = arith.constant 0 : i32
      %dma_start3A_111 = tpu.memref_slice %arg6[%mul3A_100, %dma_start3A_110] : memref<128x768xf32, #tpu.memory_space<vmem>> -> memref<32x768xf32, #tpu.memory_space<vmem>>
      tpu.enqueue_dma source(%dma_start3A_111 : memref<32x768xf32, #tpu.memory_space<vmem>>) target(%dma_start3A_109 : memref<32x768xf32, #tpu.memory_space<hbm>>) target_semaphore(%arg8 : memref<!tpu.dma_semaphore, #tpu.memory_space<semaphore_mem>>)
      %gt3A = arith.constant 0 : i32
      %gt3A_112 = arith.cmpi sgt, %scan3A_84, %gt3A : i32
      %convert_element_type3A = arith.extui %gt3A_112 : i1 to i32
      %cond3A = arith.constant 0 : i32
      %cond3A_113 = arith.cmpi ne, %convert_element_type3A, %cond3A : i32
      scf.if %cond3A_113 {
        %dma_wait3A_123 = arith.constant 0 : i32
        %dma_wait3A_124 = arith.constant 0 : i32
        %dma_wait3A_125 = tpu.memref_slice %arg6[%dma_wait3A_123, %dma_wait3A_124] : memref<128x768xf32, #tpu.memory_space<vmem>> -> memref<32x768xf32, #tpu.memory_space<vmem>>
        %dma_wait3A_126 = arith.constant 0 : i32
        %dma_wait3A_127 = tpu.memref_slice %arg4[%mul3A_2, %dma_wait3A_126] : memref<16384x768xf32, #tpu.memory_space<hbm>> -> memref<32x768xf32, #tpu.memory_space<hbm>>
        %dma_wait3A_128 = arith.constant 0 : i32
        %dma_wait3A_129 = tpu.memref_slice %arg4[%mul3A_2, %dma_wait3A_128] : memref<16384x768xf32, #tpu.memory_space<hbm>> -> memref<32x768xf32, #tpu.memory_space<hbm>>
        %dma_wait3A_130 = arith.constant 0 : i32
        %dma_wait3A_131 = arith.constant 0 : i32
        %dma_wait3A_132 = tpu.memref_slice %arg6[%dma_wait3A_130, %dma_wait3A_131] : memref<128x768xf32, #tpu.memory_space<vmem>> -> memref<32x768xf32, #tpu.memory_space<vmem>>
        tpu.wait_dma2 semaphore(%arg8 : memref<!tpu.dma_semaphore, #tpu.memory_space<semaphore_mem>>) src(%dma_wait3A_132 : memref<32x768xf32, #tpu.memory_space<vmem>>) dst(%dma_wait3A_129 : memref<32x768xf32, #tpu.memory_space<hbm>>)
      } else {
      }
      %add3A_114 = arith.constant 4 : i32
      %add3A_115 = arith.addi %scan3A_84, %add3A_114 : i32
      %sub3A_116 = arith.constant 1 : i32
      %sub3A_117 = arith.subi %add3A_115, %sub3A_116 : i32
      %lt3A_118 = arith.constant 16 : i32
      %lt3A_119 = arith.cmpi slt, %sub3A_117, %lt3A_118 : i32
      %convert_element_type3A_120 = arith.extui %lt3A_119 : i1 to i32
      %cond3A_121 = arith.constant 0 : i32
      %cond3A_122 = arith.cmpi ne, %convert_element_type3A_120, %cond3A_121 : i32
      scf.if %cond3A_122 {
        %add3A_123 = arith.constant 4 : i32
        %add3A_124 = arith.addi %scan3A_84, %add3A_123 : i32
        %sub3A_125 = arith.constant 1 : i32
        %sub3A_126 = arith.subi %add3A_124, %sub3A_125 : i32
        %rem3A_127 = arith.constant 4 : i32
        %rem3A_128 = arith.remsi %sub3A_126, %rem3A_127 : i32
        %mul3A_129 = arith.constant 32 : i32
        %mul3A_130 = arith.muli %sub3A_126, %mul3A_129 : i32
        %mul3A_131 = arith.constant 32 : i32
        %mul3A_132 = arith.muli %rem3A_128, %mul3A_131 : i32
        %dma_start3A_133 = arith.constant 0 : i32
        %dma_start3A_134 = tpu.memref_slice %arg6[%mul3A_132, %dma_start3A_133] : memref<128x768xf32, #tpu.memory_space<vmem>> -> memref<32x768xf32, #tpu.memory_space<vmem>>
        %dma_start3A_135 = tpu.memref_slice %arg5[%mul3A_130] : memref<512xi32, #tpu.memory_space<vmem>> -> memref<32xi32, #tpu.memory_space<vmem>>
        %dma_start3A_136 = arith.constant 0 : i32
        %dma_start3A_137 = arith.constant 0 : i32
        %dma_start3A_138 = tpu.memref_slice %arg3[%dma_start3A_136, %dma_start3A_137] : memref<100000x768xf32, #tpu.memory_space<hbm>> -> memref<100000x768xf32, #tpu.memory_space<hbm>>
        tpu.enqueue_indirect_dma source(%dma_start3A_138 : memref<100000x768xf32, #tpu.memory_space<hbm>>) target(%dma_start3A_134 : memref<32x768xf32, #tpu.memory_space<vmem>>) offsets(%dma_start3A_135 : memref<32xi32, #tpu.memory_space<vmem>>) semaphore(%arg7 : memref<!tpu.dma_semaphore, #tpu.memory_space<semaphore_mem>>)
      } else {
      }
    }
    %scan3A_74 = arith.constant 16 : i32
    %dma_wait3A = arith.constant 0 : i32
    %dma_wait3A_75 = arith.constant 0 : i32
    %dma_wait3A_76 = tpu.memref_slice %arg6[%dma_wait3A, %dma_wait3A_75] : memref<128x768xf32, #tpu.memory_space<vmem>> -> memref<32x768xf32, #tpu.memory_space<vmem>>
    %dma_wait3A_77 = arith.constant 0 : i32
    %dma_wait3A_78 = tpu.memref_slice %arg4[%mul3A_2, %dma_wait3A_77] : memref<16384x768xf32, #tpu.memory_space<hbm>> -> memref<32x768xf32, #tpu.memory_space<hbm>>
    %dma_wait3A_79 = arith.constant 0 : i32
    %dma_wait3A_80 = tpu.memref_slice %arg4[%mul3A_2, %dma_wait3A_79] : memref<16384x768xf32, #tpu.memory_space<hbm>> -> memref<32x768xf32, #tpu.memory_space<hbm>>
    %dma_wait3A_81 = arith.constant 0 : i32
    %dma_wait3A_82 = arith.constant 0 : i32
    %dma_wait3A_83 = tpu.memref_slice %arg6[%dma_wait3A_81, %dma_wait3A_82] : memref<128x768xf32, #tpu.memory_space<vmem>> -> memref<32x768xf32, #tpu.memory_space<vmem>>
    tpu.wait_dma2 semaphore(%arg8 : memref<!tpu.dma_semaphore, #tpu.memory_space<semaphore_mem>>) src(%dma_wait3A_83 : memref<32x768xf32, #tpu.memory_space<vmem>>) dst(%dma_wait3A_80 : memref<32x768xf32, #tpu.memory_space<hbm>>)
    return
  }
}

</mosaic_0001>

<sc_bundles>
// kernel: kernel.3.cloned.1.call-start
scs
__scs_entry_jumppad:
0x0: {  	(pc) =	sbr.rel $0x88, $3  }
0x1: {  	(tag) =	ssettag $0x0;
	lr =	simm.s32 $0x1  }
0x2: {  	[smem:$0x3F9F] =	sst lr;
	_ =	strace $0xD0000000  }
0x3: {  	_ = 	snop  }
0x4: {  	_ = 	snop  }
0x5: {  	_ = 	snop  }
0x6: {  	_ = 	snop  }
0x7: {  	_ = 	snop  }
__scs_overlays_trampoline_lowered:
0x8: {  	[smem:$0x3FAE] =	sst s0  }
0x9: {  	[smem:$0x3FAF] =	sst s1  }
0xa: {  	[smem:$0x3FB0] =	sst s2  }
0xb: {  	[smem:$0x3FB1] =	sst s3  }
0xc: {  	[smem:$0x3FB2] =	sst s4  }
0xd: {  	[smem:$0x3FB3] =	sst s5  }
0xe: {  	[smem:$0x3FB4] =	sst s6  }
0xf: {  	[smem:$0x3FB5] =	sst s7  }
0x10: {  	[smem:$0x3FB6] =	sst s8  }
0x11: {  	[smem:$0x3FB7] =	sst s9;
	s0 =	simm.s32 @!p0 $0x0  }
0x12: {  	s1 =	sld [smem:$0x3F9D];
	s0 =	simm.s32 @p0 $0x1  }
0x13: {  	[smem:$0x3FB8] =	sst s0;
	s0 =	simm.s32 @!p1 $0x0  }
0x14: {  	s2 =	sld [smem:$0x3F9C];
	s0 =	simm.s32 @p1 $0x1  }
0x15: {  	[smem:$0x3FB9] =	sst s0;
	s0 =	simm.s32 @!p2 $0x0  }
0x16: {  	s3 =	sld [smem:$0x3FDB];
	s0 =	simm.s32 @p2 $0x1  }
0x17: {  	s4 =	simm.s32 $0x1BF5;
	[smem:$0x3FBB] =	sst s0  }
0x18: {  	s0 =	sld [smem:$0x3F9E];
	_ =	swait.ge [sflag:s4], $0x0  }
0x19: {  	s7 =	sld [smem:$0x3F9F]  }
0x1a: {  	s8 =	sadd.s32 $0xFFFFE003, lr  }
0x1b: {  	s9 =	sadd.s32 $0xFFFFFEF7, lr;
	s5 =	simm.s32 $0xFFFFFFFF;
	p2 =	slt.u32 s8, $0xFFFFF086  }
0x1c: {  	p1 =	slt.u32 s9, $0xF7A;
	s5 =	simm.s32 @!p2 $0x0  }
0x1d: {  	s5 =	simm.s32 @p1 $0x1;
	p0 =	seq.s32 s7, s2  }
0x1e: {  	s7 =	smul.u32 @!p0 $0xF7A, s2;
	p2 =	seq.s32 @!p0 s5, $0x0  }
0x1f: {  	s9 =	smul.u32 $0xF7A, s1;
	s8 =	simm.s32 @!p0 $0x1BF5;
	p2 =	por !p2, p0  }
0x20: {  	[sflag:s8] =	ssyncset.s32 @!p0 $0xFFFFF086;
	s6 =	sadd.s32 @!p0 s3, s7;
	s7 =	simm.s32 @!p0 $0x108  }
0x21: {  	s3 =	sadd.s32 s3, s9;
	s6 =	sadd.s32 @!p0 $0x88, s6;
	s7 =	simm.s32 @p2 $0x1082  }
0x22: {  	[simem:s7], [sflag:s8] =	dma.local @!p0 [hbm:s6], $0xF7A  }
0x23: {  	s9 =	sor.u32 $0xD0000000, s2;
	s6 =	simm.s32 $0x108;
	_ =	swait.ge @!p0 [sflag:s8], $0x0  }
0x24: {  	s3 =	sadd.s32 $0x88, s3;
	s6 =	simm.s32 @!p1 $0x1082;
	[sflag:s4] =	ssyncset.s32 $0xFFFFF086  }
0x25: {  	[simem:s6], [sflag:s4] =	dma.local [hbm:s3], $0xF7A  }
0x26: {  	[smem:$0x3F9F] =	sst s1;
	(tag) =	ssettag s2;
	_ =	strace s9  }
0x27: {  	s1 =	sld [smem:$0x3FAF]  }
0x28: {  	s2 =	sld [smem:$0x3FB0]  }
0x29: {  	s4 =	sld [smem:$0x3FB2]  }
0x2a: {  	p0 =	seq.s32 s5, $0x0;
	s5 =	sld [smem:$0x3FB3]  }
0x2b: {  	s6 =	sld [smem:$0x3FB4]  }
0x2c: {  	s7 =	sld [smem:$0x3FB5]  }
0x2d: {  	s3 =	simm.s32 $0x108;
	s8 =	sld [smem:$0x3FB6]  }
0x2e: {  	s3 =	simm.s32 @!p0 $0x1082;
	s9 =	sld [smem:$0x3FB7]  }
0x2f: {  	lr =	sadd.s32 s0, s3;
	s0 =	sld [smem:$0x3FAE]  }
0x30: {  	s3 =	sld [smem:$0x3FB1]  }
0x31: {  	[smem:$0x3FBA] =	sst s10  }
0x32: {  	s10 =	sld [smem:$0x3FB8];
	_ =	sdelay $0x3  }
0x33: {  	p0 =	seq.s32 s10, $0x1;
	s10 =	sld [smem:$0x3FBA];
	_ =	sdelay $0x3  }
0x34: {  	[smem:$0x3FBA] =	sst s10  }
0x35: {  	s10 =	sld [smem:$0x3FB9];
	_ =	sdelay $0x3  }
0x36: {  	p1 =	seq.s32 s10, $0x1;
	s10 =	sld [smem:$0x3FBA];
	_ =	sdelay $0x3  }
0x37: {  	[smem:$0x3FBA] =	sst s10  }
0x38: {  	s10 =	sld [smem:$0x3FBB]  }
0x39: {  	_ = 	snop;
	(pc) =	sbr.ind lr, $3  }
0x3a: {  	_ = 	snop  }
0x3b: {  	_ = 	snop  }
0x3c: {  	p2 =	seq.s32 s10, $0x1;
	s10 =	sld [smem:$0x3FBA]  }
0x3d: {  	_ =	shalt  }
0x3e: {  	_ =	shalt  }
0x3f: {  	_ =	shalt  }
0x40: {  	_ =	shalt  }
0x41: {  	_ =	shalt  }
0x42: {  	_ =	shalt  }
0x43: {  	_ =	shalt  }
0x44: {  	_ =	shalt  }
0x45: {  	_ =	shalt  }
0x46: {  	_ =	shalt  }
0x47: {  	_ =	shalt  }
0x48: {  	_ =	shalt  }
0x49: {  	_ =	shalt  }
0x4a: {  	_ =	shalt  }
0x4b: {  	_ =	shalt  }
0x4c: {  	_ =	shalt  }
0x4d: {  	_ =	shalt  }
0x4e: {  	_ =	shalt  }
0x4f: {  	_ =	shalt  }
0x50: {  	_ =	shalt  }
0x51: {  	_ =	shalt  }
0x52: {  	_ =	shalt  }
0x53: {  	_ =	shalt  }
0x54: {  	_ =	shalt  }
0x55: {  	_ =	shalt  }
0x56: {  	_ =	shalt  }
0x57: {  	_ =	shalt  }
0x58: {  	_ =	shalt  }
0x59: {  	_ =	shalt  }
0x5a: {  	_ =	shalt  }
0x5b: {  	_ =	shalt  }
0x5c: {  	_ =	shalt  }
0x5d: {  	_ =	shalt  }
0x5e: {  	_ =	shalt  }
0x5f: {  	_ =	shalt  }
0x60: {  	_ =	shalt  }
0x61: {  	_ =	shalt  }
0x62: {  	_ =	shalt  }
0x63: {  	_ =	shalt  }
0x64: {  	_ =	shalt  }
0x65: {  	_ =	shalt  }
0x66: {  	_ =	shalt  }
0x67: {  	_ =	shalt  }
0x68: {  	_ =	shalt  }
0x69: {  	_ =	shalt  }
0x6a: {  	_ =	shalt  }
0x6b: {  	_ =	shalt  }
0x6c: {  	_ =	shalt  }
0x6d: {  	_ =	shalt  }
0x6e: {  	_ =	shalt  }
0x6f: {  	_ =	shalt  }
0x70: {  	_ =	shalt  }
0x71: {  	_ =	shalt  }
0x72: {  	_ =	shalt  }
0x73: {  	_ =	shalt  }
0x74: {  	_ =	shalt  }
0x75: {  	_ =	shalt  }
0x76: {  	_ =	shalt  }
0x77: {  	_ =	shalt  }
0x78: {  	_ =	shalt  }
0x79: {  	_ =	shalt  }
0x7a: {  	_ =	shalt  }
0x7b: {  	_ =	shalt  }
0x7c: {  	_ =	shalt  }
0x7d: {  	_ =	shalt  }
0x7e: {  	_ =	shalt  }
0x7f: {  	_ =	shalt  }
0x80: {  	_ =	shalt  }
0x81: {  	_ =	shalt  }
0x82: {  	_ =	shalt  }
0x83: {  	_ =	shalt  }
0x84: {  	_ =	shalt  }
0x85: {  	_ =	shalt  }
0x86: {  	_ =	shalt  }
0x87: {  	_ =	shalt  }
.Lfunc_end0:
.L_simem_size_0:
called_computation_lowered:
.L_overlay_start_0:
0x88: {  	s2 =	sld [smem:$0x3FD9]  }
0x89: {  	s3 =	sld [smem:$0x3FFE];
	_ =	sdelay $0x1  }
0x8a: {  	s1 =	srdreg.scid  }
0x8b: {  	s0 =	sand.u32 $0x1, s1  }
0x8c: {  	s18 =	sshll.u32 s0, $0xA;
	s2 =	sadd.s32 s3, s2  }
0x8d: {  	s2 =	sadd.s32 s2, s18  }
0x8e: {  	[smem:$0x3FC6] =	sst s2  }
0x8f: {  	_ = 	snop  }
0x90: {  	s2 =	sld [smem:$0x3FC9]  }
0x91: {  	s19 =	sld [smem:$0x3FC8]  }
0x92: {  	s4 =	sld [smem:$0x3FD0];
	(tm) =	ssettm $0x1  }
0x93: {  	s5 =	sld [smem:$0x3FFB];
	_ =	sdelay $0x3  }
0x94: {  	_ =	strace s5  }
0x95: {  	s5 =	sld [smem:$0x3FFC];
	_ =	sdelay $0x3  }
0x96: {  	_ =	strace s5  }
0x97: {  	s5 =	sld [smem:$0x3FFD];
	_ =	sdelay $0x3  }
0x98: {  	_ =	strace s5  }
0x99: {  	_ =	strace $0x8FFFFFFF  }
0x9a: {  	s20 =	sld [smem:$0x3FDB];
	_ =	sdelay $0x1  }
0x9b: {  	s6 =	simm.s32 $_scs_section_size  }
0x9c: {  	s7 =	simm.s32 $_size__tile_overlayer_lowered;
	s8 =	simm.s32 $_tile_overlayer_lowered  }
0x9d: {  	s23 =	simm.s32 $0x1BFF;
	s22 =	sshll.u32 s8, $0x1;
	s5 =	sadd.s32 s6, s20  }
0x9e: {  	s9 =	simm.s32 $0x0;
	s21 =	sshll.u32 s7, $0x1;
	s7 =	sadd.s32 s22, s5  }
0x9f: {  	[timem:s9], [sflag:s23] =	dma.local [hbm:s7], s21  }
0xa0: {  	_ =	swait.ge [sflag:s23], s21  }
0xa1: {  	s6 =	ssub.s32 $0x0, s21;
	[sflag:s23] =	ssyncset.done $0x0  }
0xa2: {  	[sflag:s23] =	ssyncadd.s32 s6;
	_ =	sdelay $0x1  }
0xa3: {  	s24 =	simm.s32 $0x1B8B  }
0xa4: {  	_ =	swait.ge [sflag:s24], $0x1  }
0xa5: {  	[sflag:s24] =	ssyncset.done $0x0  }
0xa6: {  	s25 =	simm.s32 $0x1B8E;
	[sflag:s24] =	ssyncadd.s32 $0xFFFFFFFF  }
0xa7: {  	s26 =	simm.s32 $execute0_lowered;
	[smem:$0x3FD2] =	sst s25  }
0xa8: {  	s6 =	sshll.u32 s26, $0x1;
	_ =	strace $0x80000046;
	[dreg:$0x1] =	wrdreg $0xFFFFFFFF  }
0xa9: {  	s28 =	simm.s32 $_size_execute0_lowered;
	s5 =	sadd.s32 s5, s6;
	[dreg:$0x0] =	wrdreg $0x0  }
0xaa: {  	s6 =	sshll.u32 s28, $0x1;
	[dreg:$0x2] =	wrdreg s5  }
0xab: {  	[dreg:$0x3] =	wrdreg s6  }
0xac: {  	[dreg:$0x4] =	wrdreg $0xC0  }
0xad: {  	_ =	task [dreg:s9], $0x5FFFF  }
0xae: {  	[dreg:$0x1] =	wrdreg $0xFFFFFFFF  }
0xaf: {  	[dreg:$0x0] =	wrdreg $0x60  }
0xb0: {  	[dreg:$0x2] =	wrdreg s2  }
0xb1: {  	[dreg:$0x3] =	wrdreg s19  }
0xb2: {  	[dreg:$0x4] =	wrdreg s4  }
0xb3: {  	[dreg:$0x5] =	wrdreg $0x9  }
0xb4: {  	_ =	task.clear_ibuf [dreg:s9], $0x6FFFF;
	_ =	strace $0x90000046  }
0xb5: {  	s29 =	simm.s32 $0x9;
	_ =	strace $0x80000048  }
0xb6: {  	_ =	swait.ge [sflag:s29], $0x1  }
0xb7: {  	[sflag:s29] =	ssyncadd.s32 $0xFFFFFFFF  }
0xb8: {  	_ =	strace $0x90000048  }
0xb9: {  	_ =	sfence  }
0xba: {  	s30 =	sld [smem:$0x0];
	_ =	sdelay $0x2  }
0xbb: {  	s31 =	sshll.u32 s1, $0xD;
	s1 =	sshrl.u32 s1, $0x2  }
0xbc: {  	s3 =	sand.u32 $0x4000, s31;
	s1 =	sadd.s32 s1, s30  }
0xbd: {  	s0 =	sor.u32 s3, s0;
	s1 =	sshll.u32 s1, $0x11  }
0xbe: {  	s0 =	sor.u32 s1, s0  }
0xbf: {  	s0 =	sadd.s32 $0x8F2B, s0  }
0xc0: {  	[sflag:s0] =	ssyncadd.remote.s32 $0x1  }
0xc1: {  	_ =	sfence.sel $0xFFFF  }
0xc2: {  	[dreg:$0x0] =	wrdreg $0xFFFFFFFF;
	(pc) =	sbr.abs _section_cstart, $3  }
0xc3: {  	[dreg:$0x1] =	wrdreg $0xFFFFFFFF  }
0xc4: {  	_ =	task.clear_ibuf [dreg:s9], $0x2FFFF;
	_ =	strace $0x9FFFFFFF  }
0xc5: {  	(tm) =	ssettm $0x7FFFFFFF  }
tec
execute0_lowered:
.L_overlay_start_1:
0x0: {  	(tag) =	ssettag $0x1  }
0x1: {  	s0 =	rddreg [dreg:$0x0]  }
0x2: {  	s1 =	rddreg [dreg:$0x1]  }
0x3: {  	s2 =	rddreg [dreg:$0x2];
	s3 =	simm.s32 $0x0;
	s4 =	srdreg.scid  }
0x4: {  	s11 =	stileid.u32;
	s12 =	simm.s32 $0x3;
	s18 =	simm.s32 $0x1  }
0x5: {  	s19 =	simm.s32 $0x2;
	s20 =	simm.s32 $0x0;
	[smem:$0x7FF] =	sst s3  }
0x6: {  	s5 =	sand.u32 $0x1, s4;
	s6 =	sshll.u32 s11, $0x1;
	s8 =	sshll.u32 s11, $0x2  }
0x7: {  	s29 =	smul.u32 $0x18000, s11;
	s11 =	simm.s32 $0x200;
	_ =	strace $0x80000047  }
0x8: {  	s4 =	ssub.s32 $0x2, s5;
	s6 =	sor.u32 s5, s6;
	s8 =	sand.u32 $0x30, s8  }
0x9: {  	s30 =	smul.u32 $0xC000, s5;
	s5 =	sadd.s32 $0x100, s1;
	s7 =	sshrl.u32 s4, $0x1  }
0xa: {  	s9 =	sshll.u32 s6, $0x8;
	s10 =	smul.u32 $0xC000, s6;
	s0 =	sadd.s32 s0, s8  }
0xb: {  	v2 =	vlaneseq.u32;
	s6 =	sadd.s32 $0x200, s1;
	s31 =	sadd.s32 s29, s2;
	s28 =	sand.u32 $0x700, s9  }
0xc: {  	vm0 =	vmmov $0xffff;
	v1 =	vshrl.u32 v2, $0x3;
	s7 =	ssub.s32 s4, s7;
	s4 =	sadd.s32 s28, s0;
	s0 =	sadd.s32 s30, s31  }
0xd: {  	v0 =	vand.u32 $0x7, v2;
	v2 =	vor.u32 $0x8, v2;
	v1 =	vmul.u32 $0x8, v1;
	s7 =	smax.u32 s7, $0x1;
	s8 =	sadd.s32 s2, s10;
	s9 =	sadd.s32 $0xC00, s0  }
.LBB2_1:
0xe: {  	s0 =	simm.s32 $0x80  }
0xf: {  	[tilespmem:s3], [sflag:$0x3] =	stream.strided.gather [hbm4b:s4+s0], $0x200, s11, s0, $0x38;
	[tilespmem:$0x18200] =	vst v63  }
0x10: {  	_ =	swait.ge [sflag:s12], $0x200  }
0x11: {  	[sflag:s12] =	ssyncset.done $0x0  }
0x12: {  	[sflag:s12] =	ssyncadd.s32 $0xFFFFFE00  }
0x13: {  	v3 =	vld [tilespmem:$0x0];
	_ =	sdelay $0x4  }
0x14: {  	v4 =	vshrl.u32 v3, $0x3  }
0x15: {  	v4 =	vmul.u32 $0x30, v4  }
0x16: {  	v3 =	vand.u32 $0x7, v3  }
0x17: {  	v3 =	vor.u32 v3, v4  }
0x18: {  	v4 =	vperm.xlane v3, v0;
	_ =	sdelay $0x1  }
0x19: {  	v4 =	vadd.s32 v1, v4;
	_ =	sdelay $0x3  }
0x1a: {  	v3 =	vperm.xlane v3, v2  }
0x1b: {  	[tilespmem:s11], [sflag:$0x1] =	stream.indirect_vreg.gather [hbm4b:s1+s3], $0x80, v4, vm0, $0xb8;
	[tilespmem:$0x18200] =	vst v63  }
0x1c: {  	s2 =	simm.s32 $0xA00;
	v3 =	vadd.s32 v1, v3  }
0x1d: {  	[tilespmem:s2], [sflag:$0x1] =	stream.indirect_vreg.gather [hbm4b:s5+s3], $0x80, v4, vm0, $0xb8;
	[tilespmem:$0x18200] =	vst v63  }
0x1e: {  	s10 =	simm.s32 $0x1200  }
0x1f: {  	[tilespmem:s10], [sflag:$0x1] =	stream.indirect_vreg.gather [hbm4b:s6+s3], $0x80, v4, vm0, $0xb8;
	[tilespmem:$0x18200] =	vst v63  }
0x20: {  	s13 =	simm.s32 $0x1A00  }
0x21: {  	[tilespmem:s13], [sflag:$0x1] =	stream.indirect_vreg.gather [hbm4b:s1+s3], $0x80, v3, vm0, $0xb8;
	[tilespmem:$0x18200] =	vst v63  }
0x22: {  	s14 =	simm.s32 $0x2200  }
0x23: {  	[tilespmem:s14], [sflag:$0x1] =	stream.indirect_vreg.gather [hbm4b:s5+s3], $0x80, v3, vm0, $0xb8;
	[tilespmem:$0x18200] =	vst v63  }
0x24: {  	s15 =	simm.s32 $0x2A00  }
0x25: {  	[tilespmem:s15], [sflag:$0x1] =	stream.indirect_vreg.gather [hbm4b:s6+s3], $0x80, v3, vm0, $0xb8;
	[tilespmem:$0x18200] =	vst v63  }
0x26: {  	v3 =	vld [tilespmem:$0x10];
	_ =	sdelay $0x4  }
0x27: {  	v4 =	vshrl.u32 v3, $0x3  }
0x28: {  	v4 =	vmul.u32 $0x30, v4  }
0x29: {  	v3 =	vand.u32 $0x7, v3  }
0x2a: {  	v3 =	vor.u32 v3, v4  }
0x2b: {  	v4 =	vperm.xlane v3, v0;
	_ =	sdelay $0x1  }
0x2c: {  	v4 =	vadd.s32 v1, v4;
	_ =	sdelay $0x3  }
0x2d: {  	s16 =	simm.s32 $0x3200;
	v3 =	vperm.xlane v3, v2  }
0x2e: {  	[tilespmem:s16], [sflag:$0x1] =	stream.indirect_vreg.gather [hbm4b:s1+s3], $0x80, v4, vm0, $0xb8;
	[tilespmem:$0x18200] =	vst v63  }
0x2f: {  	s17 =	simm.s32 $0x3A00;
	v3 =	vadd.s32 v1, v3  }
0x30: {  	[tilespmem:s17], [sflag:$0x1] =	stream.indirect_vreg.gather [hbm4b:s5+s3], $0x80, v4, vm0, $0xb8;
	[tilespmem:$0x18200] =	vst v63  }
0x31: {  	s21 =	simm.s32 $0x4200  }
0x32: {  	[tilespmem:s21], [sflag:$0x1] =	stream.indirect_vreg.gather [hbm4b:s6+s3], $0x80, v4, vm0, $0xb8;
	[tilespmem:$0x18200] =	vst v63  }
0x33: {  	s22 =	simm.s32 $0x4A00  }
0x34: {  	[tilespmem:s22], [sflag:$0x1] =	stream.indirect_vreg.gather [hbm4b:s1+s3], $0x80, v3, vm0, $0xb8;
	[tilespmem:$0x18200] =	vst v63  }
0x35: {  	s23 =	simm.s32 $0x5200  }
0x36: {  	[tilespmem:s23], [sflag:$0x1] =	stream.indirect_vreg.gather [hbm4b:s5+s3], $0x80, v3, vm0, $0xb8;
	[tilespmem:$0x18200] =	vst v63  }
0x37: {  	s24 =	simm.s32 $0x5A00  }
0x38: {  	[tilespmem:s24], [sflag:$0x1] =	stream.indirect_vreg.gather [hbm4b:s6+s3], $0x80, v3, vm0, $0xb8;
	[tilespmem:$0x18200] =	vst v63  }
0x39: {  	v3 =	vld [tilespmem:$0x20];
	_ =	sdelay $0x4  }
0x3a: {  	v4 =	vshrl.u32 v3, $0x3  }
0x3b: {  	v4 =	vmul.u32 $0x30, v4  }
0x3c: {  	v3 =	vand.u32 $0x7, v3  }
0x3d: {  	v3 =	vor.u32 v3, v4  }
0x3e: {  	v4 =	vperm.xlane v3, v0;
	_ =	sdelay $0x1  }
0x3f: {  	v4 =	vadd.s32 v1, v4;
	_ =	sdelay $0x3  }
0x40: {  	s25 =	simm.s32 $0x6200;
	v3 =	vperm.xlane v3, v2  }
0x41: {  	[tilespmem:s25], [sflag:$0x1] =	stream.indirect_vreg.gather [hbm4b:s1+s3], $0x80, v4, vm0, $0xb8;
	[tilespmem:$0x18200] =	vst v63  }
0x42: {  	s26 =	simm.s32 $0x6A00;
	v3 =	vadd.s32 v1, v3  }
0x43: {  	[tilespmem:s26], [sflag:$0x1] =	stream.indirect_vreg.gather [hbm4b:s5+s3], $0x80, v4, vm0, $0xb8;
	[tilespmem:$0x18200] =	vst v63  }
0x44: {  	s29 =	simm.s32 $0x7200  }
0x45: {  	[tilespmem:s29], [sflag:$0x1] =	stream.indirect_vreg.gather [hbm4b:s6+s3], $0x80, v4, vm0, $0xb8;
	[tilespmem:$0x18200] =	vst v63  }
0x46: {  	s30 =	simm.s32 $0x7A00  }
0x47: {  	[tilespmem:s30], [sflag:$0x1] =	stream.indirect_vreg.gather [hbm4b:s1+s3], $0x80, v3, vm0, $0xb8;
	[tilespmem:$0x18200] =	vst v63  }
0x48: {  	s31 =	simm.s32 $0x8200  }
0x49: {  	[tilespmem:s31], [sflag:$0x1] =	stream.indirect_vreg.gather [hbm4b:s5+s3], $0x80, v3, vm0, $0xb8;
	[tilespmem:$0x18200] =	vst v63  }
0x4a: {  	s2 =	simm.s32 $0x8A00  }
0x4b: {  	[tilespmem:s2], [sflag:$0x1] =	stream.indirect_vreg.gather [hbm4b:s6+s3], $0x80, v3, vm0, $0xb8;
	[tilespmem:$0x18200] =	vst v63  }
0x4c: {  	v3 =	vld [tilespmem:$0x30];
	_ =	sdelay $0x4  }
0x4d: {  	v4 =	vshrl.u32 v3, $0x3  }
0x4e: {  	v4 =	vmul.u32 $0x30, v4  }
0x4f: {  	v3 =	vand.u32 $0x7, v3  }
0x50: {  	v3 =	vor.u32 v3, v4  }
0x51: {  	v4 =	vperm.xlane v3, v0;
	_ =	sdelay $0x1  }
0x52: {  	v4 =	vadd.s32 v1, v4;
	_ =	sdelay $0x3  }
0x53: {  	s10 =	simm.s32 $0x9200;
	v3 =	vperm.xlane v3, v2  }
0x54: {  	[tilespmem:s10], [sflag:$0x1] =	stream.indirect_vreg.gather [hbm4b:s1+s3], $0x80, v4, vm0, $0xb8;
	[tilespmem:$0x18200] =	vst v63  }
0x55: {  	s13 =	simm.s32 $0x9A00;
	v3 =	vadd.s32 v1, v3  }
0x56: {  	[tilespmem:s13], [sflag:$0x1] =	stream.indirect_vreg.gather [hbm4b:s5+s3], $0x80, v4, vm0, $0xb8;
	[tilespmem:$0x18200] =	vst v63  }
0x57: {  	s14 =	simm.s32 $0xA200  }
0x58: {  	[tilespmem:s14], [sflag:$0x1] =	stream.indirect_vreg.gather [hbm4b:s6+s3], $0x80, v4, vm0, $0xb8;
	[tilespmem:$0x18200] =	vst v63  }
0x59: {  	s15 =	simm.s32 $0xAA00  }
0x5a: {  	[tilespmem:s15], [sflag:$0x1] =	stream.indirect_vreg.gather [hbm4b:s1+s3], $0x80, v3, vm0, $0xb8;
	[tilespmem:$0x18200] =	vst v63  }
0x5b: {  	s16 =	simm.s32 $0xB200  }
0x5c: {  	[tilespmem:s16], [sflag:$0x1] =	stream.indirect_vreg.gather [hbm4b:s5+s3], $0x80, v3, vm0, $0xb8;
	[tilespmem:$0x18200] =	vst v63  }
0x5d: {  	s17 =	simm.s32 $0xBA00  }
0x5e: {  	[tilespmem:s17], [sflag:$0x1] =	stream.indirect_vreg.gather [hbm4b:s6+s3], $0x80, v3, vm0, $0xb8;
	[tilespmem:$0x18200] =	vst v63  }
0x5f: {  	v3 =	vld [tilespmem:$0x40];
	_ =	sdelay $0x4  }
0x60: {  	v4 =	vshrl.u32 v3, $0x3  }
0x61: {  	v4 =	vmul.u32 $0x30, v4  }
0x62: {  	v3 =	vand.u32 $0x7, v3  }
0x63: {  	v3 =	vor.u32 v3, v4  }
0x64: {  	v4 =	vperm.xlane v3, v0;
	_ =	sdelay $0x1  }
0x65: {  	v4 =	vadd.s32 v1, v4;
	_ =	sdelay $0x3  }
0x66: {  	s21 =	simm.s32 $0xC200;
	v3 =	vperm.xlane v3, v2  }
0x67: {  	[tilespmem:s21], [sflag:$0x1] =	stream.indirect_vreg.gather [hbm4b:s1+s3], $0x80, v4, vm0, $0xb8;
	[tilespmem:$0x18200] =	vst v63  }
0x68: {  	s22 =	simm.s32 $0xCA00;
	v3 =	vadd.s32 v1, v3  }
0x69: {  	[tilespmem:s22], [sflag:$0x1] =	stream.indirect_vreg.gather [hbm4b:s5+s3], $0x80, v4, vm0, $0xb8;
	[tilespmem:$0x18200] =	vst v63  }
0x6a: {  	s23 =	simm.s32 $0xD200  }
0x6b: {  	[tilespmem:s23], [sflag:$0x1] =	stream.indirect_vreg.gather [hbm4b:s6+s3], $0x80, v4, vm0, $0xb8;
	[tilespmem:$0x18200] =	vst v63  }
0x6c: {  	s24 =	simm.s32 $0xDA00  }
0x6d: {  	[tilespmem:s24], [sflag:$0x1] =	stream.indirect_vreg.gather [hbm4b:s1+s3], $0x80, v3, vm0, $0xb8;
	[tilespmem:$0x18200] =	vst v63  }
0x6e: {  	s25 =	simm.s32 $0xE200  }
0x6f: {  	[tilespmem:s25], [sflag:$0x1] =	stream.indirect_vreg.gather [hbm4b:s5+s3], $0x80, v3, vm0, $0xb8;
	[tilespmem:$0x18200] =	vst v63  }
0x70: {  	s26 =	simm.s32 $0xEA00  }
0x71: {  	[tilespmem:s26], [sflag:$0x1] =	stream.indirect_vreg.gather [hbm4b:s6+s3], $0x80, v3, vm0, $0xb8;
	[tilespmem:$0x18200] =	vst v63  }
0x72: {  	v3 =	vld [tilespmem:$0x50];
	_ =	sdelay $0x4  }
0x73: {  	v4 =	vshrl.u32 v3, $0x3  }
0x74: {  	v4 =	vmul.u32 $0x30, v4  }
0x75: {  	v3 =	vand.u32 $0x7, v3  }
0x76: {  	v3 =	vor.u32 v3, v4  }
0x77: {  	v4 =	vperm.xlane v3, v0;
	_ =	sdelay $0x1  }
0x78: {  	v4 =	vadd.s32 v1, v4;
	_ =	sdelay $0x3  }
0x79: {  	s29 =	simm.s32 $0xF200;
	v3 =	vperm.xlane v3, v2  }
0x7a: {  	[tilespmem:s29], [sflag:$0x1] =	stream.indirect_vreg.gather [hbm4b:s1+s3], $0x80, v4, vm0, $0xb8;
	[tilespmem:$0x18200] =	vst v63  }
0x7b: {  	s30 =	simm.s32 $0xFA00;
	v3 =	vadd.s32 v1, v3  }
0x7c: {  	[tilespmem:s30], [sflag:$0x1] =	stream.indirect_vreg.gather [hbm4b:s5+s3], $0x80, v4, vm0, $0xb8;
	[tilespmem:$0x18200] =	vst v63  }
0x7d: {  	s31 =	simm.s32 $0x10200  }
0x7e: {  	[tilespmem:s31], [sflag:$0x1] =	stream.indirect_vreg.gather [hbm4b:s6+s3], $0x80, v4, vm0, $0xb8;
	[tilespmem:$0x18200] =	vst v63  }
0x7f: {  	s2 =	simm.s32 $0x10A00  }
0x80: {  	[tilespmem:s2], [sflag:$0x1] =	stream.indirect_vreg.gather [hbm4b:s1+s3], $0x80, v3, vm0, $0xb8;
	[tilespmem:$0x18200] =	vst v63  }
0x81: {  	s10 =	simm.s32 $0x11200  }
0x82: {  	[tilespmem:s10], [sflag:$0x1] =	stream.indirect_vreg.gather [hbm4b:s5+s3], $0x80, v3, vm0, $0xb8;
	[tilespmem:$0x18200] =	vst v63  }
0x83: {  	s13 =	simm.s32 $0x11A00  }
0x84: {  	[tilespmem:s13], [sflag:$0x1] =	stream.indirect_vreg.gather [hbm4b:s6+s3], $0x80, v3, vm0, $0xb8;
	[tilespmem:$0x18200] =	vst v63  }
0x85: {  	_ =	swait.ge [sflag:s18], $0x6000  }
0x86: {  	[sflag:s18] =	ssyncset.done $0x0  }
0x87: {  	[sflag:s18] =	ssyncadd.s32 $0xFFFFA000  }
0x88: {  	[hbm4b:s8+s3] =	stream.linear.scatter [tilespmem:s11], [sflag:$0x2], $0x6000, $0x38;
	[tilespmem:$0x18200] =	vst v63  }
0x89: {  	v3 =	vld [tilespmem:$0x60];
	_ =	sdelay $0x4  }
0x8a: {  	v4 =	vshrl.u32 v3, $0x3  }
0x8b: {  	v4 =	vmul.u32 $0x30, v4  }
0x8c: {  	v3 =	vand.u32 $0x7, v3  }
0x8d: {  	v3 =	vor.u32 v3, v4  }
0x8e: {  	v4 =	vperm.xlane v3, v0;
	_ =	sdelay $0x1  }
0x8f: {  	v4 =	vadd.s32 v1, v4;
	_ =	sdelay $0x3  }
0x90: {  	s14 =	simm.s32 $0x12200;
	v3 =	vperm.xlane v3, v2  }
0x91: {  	[tilespmem:s14], [sflag:$0x1] =	stream.indirect_vreg.gather [hbm4b:s1+s3], $0x80, v4, vm0, $0xb8;
	[tilespmem:$0x18200] =	vst v63  }
0x92: {  	s15 =	simm.s32 $0x12A00;
	v3 =	vadd.s32 v1, v3  }
0x93: {  	[tilespmem:s15], [sflag:$0x1] =	stream.indirect_vreg.gather [hbm4b:s5+s3], $0x80, v4, vm0, $0xb8;
	[tilespmem:$0x18200] =	vst v63  }
0x94: {  	s16 =	simm.s32 $0x13200  }
0x95: {  	[tilespmem:s16], [sflag:$0x1] =	stream.indirect_vreg.gather [hbm4b:s6+s3], $0x80, v4, vm0, $0xb8;
	[tilespmem:$0x18200] =	vst v63  }
0x96: {  	s17 =	simm.s32 $0x13A00  }
0x97: {  	[tilespmem:s17], [sflag:$0x1] =	stream.indirect_vreg.gather [hbm4b:s1+s3], $0x80, v3, vm0, $0xb8;
	[tilespmem:$0x18200] =	vst v63  }
0x98: {  	s21 =	simm.s32 $0x14200  }
0x99: {  	[tilespmem:s21], [sflag:$0x1] =	stream.indirect_vreg.gather [hbm4b:s5+s3], $0x80, v3, vm0, $0xb8;
	[tilespmem:$0x18200] =	vst v63  }
0x9a: {  	s22 =	simm.s32 $0x14A00  }
0x9b: {  	[tilespmem:s22], [sflag:$0x1] =	stream.indirect_vreg.gather [hbm4b:s6+s3], $0x80, v3, vm0, $0xb8;
	[tilespmem:$0x18200] =	vst v63  }
0x9c: {  	v3 =	vld [tilespmem:$0x70];
	_ =	sdelay $0x4  }
0x9d: {  	v4 =	vshrl.u32 v3, $0x3  }
0x9e: {  	v4 =	vmul.u32 $0x30, v4  }
0x9f: {  	v3 =	vand.u32 $0x7, v3  }
0xa0: {  	v3 =	vor.u32 v3, v4  }
0xa1: {  	v4 =	vperm.xlane v3, v0;
	_ =	sdelay $0x1  }
0xa2: {  	v4 =	vadd.s32 v1, v4;
	_ =	sdelay $0x3  }
0xa3: {  	s23 =	simm.s32 $0x15200;
	v3 =	vperm.xlane v3, v2  }
0xa4: {  	[tilespmem:s23], [sflag:$0x1] =	stream.indirect_vreg.gather [hbm4b:s1+s3], $0x80, v4, vm0, $0xb8;
	[tilespmem:$0x18200] =	vst v63  }
0xa5: {  	s24 =	simm.s32 $0x15A00;
	v3 =	vadd.s32 v1, v3  }
0xa6: {  	[tilespmem:s24], [sflag:$0x1] =	stream.indirect_vreg.gather [hbm4b:s5+s3], $0x80, v4, vm0, $0xb8;
	[tilespmem:$0x18200] =	vst v63  }
0xa7: {  	s25 =	simm.s32 $0x16200  }
0xa8: {  	[tilespmem:s25], [sflag:$0x1] =	stream.indirect_vreg.gather [hbm4b:s6+s3], $0x80, v4, vm0, $0xb8;
	[tilespmem:$0x18200] =	vst v63  }
0xa9: {  	s26 =	simm.s32 $0x16A00;
	s31 =	simm.s32 $0x4  }
0xaa: {  	[tilespmem:s26], [sflag:$0x1] =	stream.indirect_vreg.gather [hbm4b:s1+s3], $0x80, v3, vm0, $0xb8;
	[tilespmem:$0x18200] =	vst v63  }
0xab: {  	s29 =	simm.s32 $0x17200;
	s0 =	sand.u32 $0xC, s31  }
0xac: {  	[tilespmem:s29], [sflag:$0x1] =	stream.indirect_vreg.gather [hbm4b:s5+s3], $0x80, v3, vm0, $0xb8;
	[tilespmem:$0x18200] =	vst v63  }
0xad: {  	s30 =	simm.s32 $0x17A00;
	s0 =	smul.u32 $0x6000, s0  }
0xae: {  	[tilespmem:s30], [sflag:$0x1] =	stream.indirect_vreg.gather [hbm4b:s6+s3], $0x80, v3, vm0, $0xb8;
	[tilespmem:$0x18200] =	vst v63  }
0xaf: {  	_ =	swait.ge [sflag:s18], $0x6000  }
0xb0: {  	s0 =	sshrl.u32 s0, $0x2;
	[sflag:s18] =	ssyncset.done $0x0  }
0xb1: {  	s0 =	sor.u32 $0x200, s0;
	[sflag:s18] =	ssyncadd.s32 $0xFFFFA000  }
0xb2: {  	[hbm4b:s9+s3] =	stream.linear.scatter [tilespmem:s0], [sflag:$0x2], $0x6000, $0x38;
	[tilespmem:$0x18200] =	vst v63  }
0xb3: {  	_ =	swait.ge [sflag:s19], $0x6000  }
0xb4: {  	[sflag:s19] =	ssyncset.done $0x0  }
0xb5: {  	p0 =	por $0x0, $0x0;
	s21 =	simm.s32 $0x90;
	[sflag:s19] =	ssyncadd.s32 $0xFFFFA000  }
0xb6: {  	v3 =	vld @!p0 [tilespmem:s21+$0xFFFFFFF0];
	_ =	sdelay $0x4  }
0xb7: {  	v4 =	vshrl.u32 @!p0 v3, $0x3  }
0xb8: {  	v4 =	vmul.u32 @!p0 $0x30, v4  }
0xb9: {  	v5 =	vlaneseq.u32 @!p0;
	v3 =	vand.u32 @!p0 $0x7, v3  }
0xba: {  	v6 =	vshrl.u32 @!p0 v5, $0x3;
	v3 =	vor.u32 @!p0 v3, v4;
	v4 =	vand.u32 @!p0 $0x7, v5  }
0xbb: {  	v6 =	vmul.u32 @!p0 $0x8, v6;
	v7 =	vperm.xlane @!p0 v3, v4  }
0xbc: {  	s0 =	simm.s32 $0x10  }
0xbd: {  	s0 =	sand.u32 @!p0 $0xC, s0;
	v7 =	vadd.s32 @!p0 v6, v7  }
0xbe: {  	s0 =	smul.u32 @!p0 $0x6000, s0;
	_ =	sdelay $0x1  }
0xbf: {  	s0 =	sshrl.u32 @!p0 s0, $0x2;
	v5 =	vor.u32 @!p0 $0x8, v5  }
0xc0: {  	vm1 =	vmmov @!p0 $0xffff;
	s26 =	simm.s32 @!p0 $0x0;
	s2 =	sor.u32 @!p0 $0x200, s0;
	v3 =	vperm.xlane @!p0 v3, v5  }
0xc1: {  	[tilespmem:s2], [sflag:$0x1] =	stream.indirect_vreg.gather @!p0 [hbm4b:s1+s26], $0x80, v7, vm1, $0xb8;
	[tilespmem:$0x18200] =	vst v63  }
0xc2: {  	v3 =	vadd.s32 @!p0 v6, v3;
	s2 =	sor.u32 @!p0 $0xA00, s0  }
0xc3: {  	[tilespmem:s2], [sflag:$0x1] =	stream.indirect_vreg.gather @!p0 [hbm4b:s5+s26], $0x80, v7, vm1, $0xb8;
	[tilespmem:$0x18200] =	vst v63  }
0xc4: {  	s2 =	sor.u32 @!p0 $0x1200, s0  }
0xc5: {  	[tilespmem:s2], [sflag:$0x1] =	stream.indirect_vreg.gather @!p0 [hbm4b:s6+s26], $0x80, v7, vm1, $0xb8;
	[tilespmem:$0x18200] =	vst v63  }
0xc6: {  	s2 =	sor.u32 @!p0 $0x1A00, s0  }
0xc7: {  	[tilespmem:s2], [sflag:$0x1] =	stream.indirect_vreg.gather @!p0 [hbm4b:s1+s26], $0x80, v3, vm1, $0xb8;
	[tilespmem:$0x18200] =	vst v63  }
0xc8: {  	s2 =	sadd.s32 @!p0 $0x2200, s0  }
0xc9: {  	[tilespmem:s2], [sflag:$0x1] =	stream.indirect_vreg.gather @!p0 [hbm4b:s5+s26], $0x80, v3, vm1, $0xb8;
	[tilespmem:$0x18200] =	vst v63  }
0xca: {  	s2 =	sadd.s32 @!p0 $0x2A00, s0  }
0xcb: {  	[tilespmem:s2], [sflag:$0x1] =	stream.indirect_vreg.gather @!p0 [hbm4b:s6+s26], $0x80, v3, vm1, $0xb8;
	[tilespmem:$0x18200] =	vst v63  }
0xcc: {  	v3 =	vld @!p0 [tilespmem:s21+$0x0];
	_ =	sdelay $0x4  }
0xcd: {  	v7 =	vshrl.u32 @!p0 v3, $0x3  }
0xce: {  	v7 =	vmul.u32 @!p0 $0x30, v7  }
0xcf: {  	v3 =	vand.u32 @!p0 $0x7, v3  }
0xd0: {  	v3 =	vor.u32 @!p0 v3, v7  }
0xd1: {  	v4 =	vperm.xlane @!p0 v3, v4;
	_ =	sdelay $0x1  }
0xd2: {  	v4 =	vadd.s32 @!p0 v6, v4;
	_ =	sdelay $0x3  }
0xd3: {  	s2 =	sadd.s32 @!p0 $0x3200, s0;
	v3 =	vperm.xlane @!p0 v3, v5  }
0xd4: {  	[tilespmem:s2], [sflag:$0x1] =	stream.indirect_vreg.gather @!p0 [hbm4b:s1+s26], $0x80, v4, vm1, $0xb8;
	[tilespmem:$0x18200] =	vst v63  }
0xd5: {  	v3 =	vadd.s32 @!p0 v6, v3;
	s2 =	sadd.s32 @!p0 $0x3A00, s0  }
0xd6: {  	[tilespmem:s2], [sflag:$0x1] =	stream.indirect_vreg.gather @!p0 [hbm4b:s5+s26], $0x80, v4, vm1, $0xb8;
	[tilespmem:$0x18200] =	vst v63  }
0xd7: {  	s22 =	simm.s32 $0x14;
	s23 =	simm.s32 $0x2;
	s2 =	sadd.s32 @!p0 $0x4200, s0  }
0xd8: {  	[tilespmem:s2], [sflag:$0x1] =	stream.indirect_vreg.gather @!p0 [hbm4b:s6+s26], $0x80, v4, vm1, $0xb8;
	[tilespmem:$0x18200] =	vst v63  }
0xd9: {  	s24 =	sadd.s32 $0xC00, s9;
	s25 =	simm.s32 $0x3;
	s2 =	sadd.s32 @!p0 $0x4A00, s0  }
0xda: {  	[tilespmem:s2], [sflag:$0x1] =	stream.indirect_vreg.gather @!p0 [hbm4b:s1+s26], $0x80, v3, vm1, $0xb8;
	[tilespmem:$0x18200] =	vst v63  }
0xdb: {  	s28 =	sadd.s32 @!p0 $0x5A00, s0;
	s2 =	sadd.s32 @!p0 $0x5200, s0;
	s0 =	simm.s32 $0x8  }
0xdc: {  	[tilespmem:s2], [sflag:$0x1] =	stream.indirect_vreg.gather @!p0 [hbm4b:s5+s26], $0x80, v3, vm1, $0xb8;
	[tilespmem:$0x18200] =	vst v63  }
.LBB2_2:
0xdd: {  	s0 =	sand.u32 $0xC, s0  }
0xde: {  	s21 =	sadd.s32 $0x20, s21;
	s2 =	smov.u32 s25;
	s25 =	sadd.s32 $0x1, s25  }
0xdf: {  	p1 =	sne.s32 s25, $0x10;
	s0 =	smul.u32 $0x6000, s0  }
0xe0: {  	[tilespmem:s28], [sflag:$0x1] =	stream.indirect_vreg.gather @!p0 [hbm4b:s6+s26], $0x80, v3, vm1, $0xb8;
	[tilespmem:$0x18200] =	vst v63  }
0xe1: {  	_ =	swait.ge [sflag:s18], $0x6000;
	s0 =	sshrl.u32 s0, $0x2  }
0xe2: {  	[sflag:s18] =	ssyncset.done $0x0;
	s0 =	sor.u32 $0x200, s0  }
0xe3: {  	[sflag:s18] =	ssyncadd.s32 $0xFFFFA000  }
0xe4: {  	[hbm4b:s24+s3] =	stream.linear.scatter [tilespmem:s0], [sflag:$0x2], $0x6000, $0x38;
	[tilespmem:$0x18200] =	vst v63  }
0xe5: {  	_ =	swait.ge [sflag:s19], $0x6000  }
0xe6: {  	[sflag:s19] =	ssyncset.done $0x0  }
0xe7: {  	p0 =	sgt.u32 s23, $0xC;
	s23 =	smov.u32 s2;
	[sflag:s19] =	ssyncadd.s32 $0xFFFFA000  }
0xe8: {  	v4 =	vlaneseq.u32 @!p0;
	s0 =	sand.u32 @!p0 $0xC, s22;
	v3 =	vld @!p0 [tilespmem:s21+$0xFFFFFFF0]  }
0xe9: {  	v5 =	vshrl.u32 @!p0 v4, $0x3;
	s0 =	smul.u32 @!p0 $0x6000, s0;
	_ =	sdelay $0x1  }
0xea: {  	s26 =	sshrl.u32 @!p0 s0, $0x2  }
0xeb: {  	s10 =	sor.u32 @!p0 $0x200, s26;
	s13 =	sor.u32 @!p0 $0xA00, s26;
	s14 =	sor.u32 @!p0 $0x1200, s26  }
0xec: {  	s15 =	sor.u32 @!p0 $0x1A00, s26;
	s16 =	sadd.s32 @!p0 $0x2200, s26;
	s17 =	sadd.s32 @!p0 $0x2A00, s26;
	v6 =	vshrl.u32 @!p0 v3, $0x3  }
0xed: {  	s2 =	sadd.s32 @!p0 $0x3200, s26;
	s0 =	sadd.s32 @!p0 $0x3A00, s26;
	s31 =	sadd.s32 @!p0 $0x4200, s26;
	v6 =	vmul.u32 @!p0 $0x30, v6  }
0xee: {  	s30 =	sadd.s32 @!p0 $0x4A00, s26;
	s29 =	sadd.s32 @!p0 $0x5200, s26;
	s28 =	sadd.s32 @!p0 $0x5A00, s26;
	v3 =	vand.u32 @!p0 $0x7, v3  }
0xef: {  	v3 =	vor.u32 @!p0 v3, v6;
	v6 =	vand.u32 @!p0 $0x7, v4;
	v4 =	vor.u32 @!p0 $0x8, v4  }
0xf0: {  	v5 =	vmul.u32 @!p0 $0x8, v5;
	v7 =	vperm.xlane @!p0 v3, v6;
	v3 =	vperm.xlane @!p0 v3, v4;
	_ =	sdelay $0x1  }
0xf1: {  	v7 =	vadd.s32 @!p0 v5, v7;
	_ =	sdelay $0x3  }
0xf2: {  	vm1 =	vmmov @!p0 $0xffff;
	s26 =	simm.s32 @!p0 $0x0  }
0xf3: {  	[tilespmem:s10], [sflag:$0x1] =	stream.indirect_vreg.gather @!p0 [hbm4b:s1+s26], $0x80, v7, vm1, $0xb8;
	[tilespmem:$0x18200] =	vst v63  }
0xf4: {  	v3 =	vadd.s32 @!p0 v5, v3  }
0xf5: {  	[tilespmem:s13], [sflag:$0x1] =	stream.indirect_vreg.gather @!p0 [hbm4b:s5+s26], $0x80, v7, vm1, $0xb8;
	[tilespmem:$0x18200] =	vst v63  }
0xf6: {  	_ = 	snop  }
0xf7: {  	[tilespmem:s14], [sflag:$0x1] =	stream.indirect_vreg.gather @!p0 [hbm4b:s6+s26], $0x80, v7, vm1, $0xb8;
	[tilespmem:$0x18200] =	vst v63  }
0xf8: {  	_ = 	snop  }
0xf9: {  	[tilespmem:s15], [sflag:$0x1] =	stream.indirect_vreg.gather @!p0 [hbm4b:s1+s26], $0x80, v3, vm1, $0xb8;
	[tilespmem:$0x18200] =	vst v63  }
0xfa: {  	_ = 	snop  }
0xfb: {  	[tilespmem:s16], [sflag:$0x1] =	stream.indirect_vreg.gather @!p0 [hbm4b:s5+s26], $0x80, v3, vm1, $0xb8;
	[tilespmem:$0x18200] =	vst v63  }
0xfc: {  	_ = 	snop  }
0xfd: {  	[tilespmem:s17], [sflag:$0x1] =	stream.indirect_vreg.gather @!p0 [hbm4b:s6+s26], $0x80, v3, vm1, $0xb8;
	[tilespmem:$0x18200] =	vst v63  }
0xfe: {  	v3 =	vld @!p0 [tilespmem:s21+$0x0];
	_ =	sdelay $0x4  }
0xff: {  	v7 =	vshrl.u32 @!p0 v3, $0x3  }
0x100: {  	v7 =	vmul.u32 @!p0 $0x30, v7  }
0x101: {  	v3 =	vand.u32 @!p0 $0x7, v3  }
0x102: {  	v3 =	vor.u32 @!p0 v3, v7  }
0x103: {  	v6 =	vperm.xlane @!p0 v3, v6;
	v3 =	vperm.xlane @!p0 v3, v4;
	_ =	sdelay $0x1  }
0x104: {  	v4 =	vadd.s32 @!p0 v5, v6;
	_ =	sdelay $0x4  }
0x105: {  	[tilespmem:s2], [sflag:$0x1] =	stream.indirect_vreg.gather @!p0 [hbm4b:s1+s26], $0x80, v4, vm1, $0xb8;
	[tilespmem:$0x18200] =	vst v63  }
0x106: {  	v3 =	vadd.s32 @!p0 v5, v3  }
0x107: {  	[tilespmem:s0], [sflag:$0x1] =	stream.indirect_vreg.gather @!p0 [hbm4b:s5+s26], $0x80, v4, vm1, $0xb8;
	[tilespmem:$0x18200] =	vst v63  }
0x108: {  	_ = 	snop  }
0x109: {  	[tilespmem:s31], [sflag:$0x1] =	stream.indirect_vreg.gather @!p0 [hbm4b:s6+s26], $0x80, v4, vm1, $0xb8;
	[tilespmem:$0x18200] =	vst v63  }
.Ltmp0:
0x10a: {  	_ = 	snop;
	(pc) =	sbr.rel @p1 .LBB2_2-.Ltmp0, $4  }
0x10b: {  	s22 =	sadd.s32 $0x4, s22  }
0x10c: {  	[tilespmem:s30], [sflag:$0x1] =	stream.indirect_vreg.gather @!p0 [hbm4b:s1+s26], $0x80, v3, vm1, $0xb8;
	[tilespmem:$0x18200] =	vst v63  }
0x10d: {  	s24 =	sadd.s32 $0xC00, s24;
	s0 =	sadd.s32 $0xFFFFFFF4, s22  }
0x10e: {  	[tilespmem:s29], [sflag:$0x1] =	stream.indirect_vreg.gather @!p0 [hbm4b:s5+s26], $0x80, v3, vm1, $0xb8;
	[tilespmem:$0x18200] =	vst v63  }
0x10f: {  	_ =	sdelay $0x2  }
0x110: {  	s0 =	sand.u32 $0xC, s0  }
0x111: {  	[tilespmem:s28], [sflag:$0x1] =	stream.indirect_vreg.gather @!p0 [hbm4b:s6+s26], $0x80, v3, vm1, $0xb8;
	[tilespmem:$0x18200] =	vst v63  }
0x112: {  	s0 =	smul.u32 $0x6000, s0  }
0x113: {  	_ =	swait.ge [sflag:s18], $0x6000  }
0x114: {  	[sflag:s18] =	ssyncset.done $0x0;
	s0 =	sshrl.u32 s0, $0x2  }
0x115: {  	[sflag:s18] =	ssyncadd.s32 $0xFFFFA000;
	s0 =	sor.u32 $0x200, s0  }
0x116: {  	[hbm4b:s24+s3] =	stream.linear.scatter [tilespmem:s0], [sflag:$0x2], $0x6000, $0x38;
	[tilespmem:$0x18200] =	vst v63  }
0x117: {  	_ =	swait.ge [sflag:s19], $0x6000  }
0x118: {  	[sflag:s19] =	ssyncset.done $0x0  }
0x119: {  	p0 =	sgt.u32 s23, $0xC;
	s0 =	sadd.s32 $0x20, s21;
	[sflag:s19] =	ssyncadd.s32 $0xFFFFA000  }
0x11a: {  	v3 =	vld @!p0 [tilespmem:s0+$0xFFFFFFF0];
	_ =	sdelay $0x4  }
0x11b: {  	v4 =	vshrl.u32 @!p0 v3, $0x3  }
0x11c: {  	v4 =	vmul.u32 @!p0 $0x30, v4  }
0x11d: {  	v5 =	vlaneseq.u32 @!p0;
	v3 =	vand.u32 @!p0 $0x7, v3  }
0x11e: {  	v6 =	vshrl.u32 @!p0 v5, $0x3;
	v3 =	vor.u32 @!p0 v3, v4;
	v4 =	vand.u32 @!p0 $0x7, v5  }
0x11f: {  	v6 =	vmul.u32 @!p0 $0x8, v6;
	v7 =	vperm.xlane @!p0 v3, v4;
	_ =	sdelay $0x1  }
0x120: {  	s2 =	sand.u32 @!p0 $0xC, s22;
	v7 =	vadd.s32 @!p0 v6, v7  }
0x121: {  	s2 =	smul.u32 @!p0 $0x6000, s2;
	_ =	sdelay $0x1  }
0x122: {  	s2 =	sshrl.u32 @!p0 s2, $0x2;
	v5 =	vor.u32 @!p0 $0x8, v5  }
0x123: {  	vm1 =	vmmov @!p0 $0xffff;
	s13 =	simm.s32 @!p0 $0x0;
	s10 =	sor.u32 @!p0 $0x200, s2;
	v3 =	vperm.xlane @!p0 v3, v5  }
0x124: {  	[tilespmem:s10], [sflag:$0x1] =	stream.indirect_vreg.gather @!p0 [hbm4b:s1+s13], $0x80, v7, vm1, $0xb8;
	[tilespmem:$0x18200] =	vst v63  }
0x125: {  	v3 =	vadd.s32 @!p0 v6, v3;
	s10 =	sor.u32 @!p0 $0xA00, s2  }
0x126: {  	[tilespmem:s10], [sflag:$0x1] =	stream.indirect_vreg.gather @!p0 [hbm4b:s5+s13], $0x80, v7, vm1, $0xb8;
	[tilespmem:$0x18200] =	vst v63  }
0x127: {  	s10 =	sor.u32 @!p0 $0x1200, s2  }
0x128: {  	[tilespmem:s10], [sflag:$0x1] =	stream.indirect_vreg.gather @!p0 [hbm4b:s6+s13], $0x80, v7, vm1, $0xb8;
	[tilespmem:$0x18200] =	vst v63  }
0x129: {  	s10 =	sor.u32 @!p0 $0x1A00, s2  }
0x12a: {  	[tilespmem:s10], [sflag:$0x1] =	stream.indirect_vreg.gather @!p0 [hbm4b:s1+s13], $0x80, v3, vm1, $0xb8;
	[tilespmem:$0x18200] =	vst v63  }
0x12b: {  	s10 =	sadd.s32 @!p0 $0x2200, s2  }
0x12c: {  	[tilespmem:s10], [sflag:$0x1] =	stream.indirect_vreg.gather @!p0 [hbm4b:s5+s13], $0x80, v3, vm1, $0xb8;
	[tilespmem:$0x18200] =	vst v63  }
0x12d: {  	s10 =	sadd.s32 @!p0 $0x2A00, s2  }
0x12e: {  	[tilespmem:s10], [sflag:$0x1] =	stream.indirect_vreg.gather @!p0 [hbm4b:s6+s13], $0x80, v3, vm1, $0xb8;
	[tilespmem:$0x18200] =	vst v63  }
0x12f: {  	v3 =	vld @!p0 [tilespmem:s0+$0x0];
	_ =	sdelay $0x4  }
0x130: {  	v7 =	vshrl.u32 @!p0 v3, $0x3  }
0x131: {  	v7 =	vmul.u32 @!p0 $0x30, v7  }
0x132: {  	v3 =	vand.u32 @!p0 $0x7, v3  }
0x133: {  	v3 =	vor.u32 @!p0 v3, v7  }
0x134: {  	v4 =	vperm.xlane @!p0 v3, v4;
	_ =	sdelay $0x1  }
0x135: {  	v4 =	vadd.s32 @!p0 v6, v4;
	_ =	sdelay $0x3  }
0x136: {  	s0 =	sadd.s32 @!p0 $0x3200, s2;
	v3 =	vperm.xlane @!p0 v3, v5  }
0x137: {  	[tilespmem:s0], [sflag:$0x1] =	stream.indirect_vreg.gather @!p0 [hbm4b:s1+s13], $0x80, v4, vm1, $0xb8;
	[tilespmem:$0x18200] =	vst v63  }
0x138: {  	v3 =	vadd.s32 @!p0 v6, v3;
	s0 =	sadd.s32 @!p0 $0x3A00, s2  }
0x139: {  	[tilespmem:s0], [sflag:$0x1] =	stream.indirect_vreg.gather @!p0 [hbm4b:s5+s13], $0x80, v4, vm1, $0xb8;
	[tilespmem:$0x18200] =	vst v63  }
0x13a: {  	s0 =	sadd.s32 @!p0 $0x4200, s2  }
0x13b: {  	[tilespmem:s0], [sflag:$0x1] =	stream.indirect_vreg.gather @!p0 [hbm4b:s6+s13], $0x80, v4, vm1, $0xb8;
	[tilespmem:$0x18200] =	vst v63  }
0x13c: {  	s0 =	sadd.s32 @!p0 $0x4A00, s2  }
0x13d: {  	[tilespmem:s0], [sflag:$0x1] =	stream.indirect_vreg.gather @!p0 [hbm4b:s1+s13], $0x80, v3, vm1, $0xb8;
	[tilespmem:$0x18200] =	vst v63  }
0x13e: {  	s0 =	sadd.s32 @!p0 $0x5200, s2  }
0x13f: {  	[tilespmem:s0], [sflag:$0x1] =	stream.indirect_vreg.gather @!p0 [hbm4b:s5+s13], $0x80, v3, vm1, $0xb8;
	[tilespmem:$0x18200] =	vst v63  }
0x140: {  	s20 =	sadd.s32 $0x1, s20;
	s0 =	sadd.s32 @!p0 $0x5A00, s2  }
0x141: {  	[tilespmem:s0], [sflag:$0x1] =	stream.indirect_vreg.gather @!p0 [hbm4b:s6+s13], $0x80, v3, vm1, $0xb8;
	[tilespmem:$0x18200] =	vst v63  }
0x142: {  	p0 =	sne.s32 s20, s7  }
.Ltmp1:
0x143: {  	_ = 	snop;
	(pc) =	sbr.rel @p0 .LBB2_1-.Ltmp1, $4  }
0x144: {  	_ = 	snop  }
0x145: {  	_ =	swait.ge [sflag:s19], $0x6000  }
0x146: {  	[sflag:s19] =	ssyncset.done $0x0  }
0x147: {  	[sflag:s19] =	ssyncadd.s32 $0xFFFFA000  }
0x148: {  	_ =	sfence.sel $0x180000  }
0x149: {  	[bflag:$0x0] =	sbarrier.arrive $0xFFFF  }
0x14a: {  	_ =	strace $0x90000047  }
0x14b: {  	s0 =	stileid.u32;
	[bflag:$0x2] =	sbarrier.arrive $0xFFFF  }
0x14c: {  	p0 =	sne.s32 s0, $0x0;
	s0 =	rddreg [dreg:$0x3]  }
0x14d: {  	s0 =	sadd.s32 @!p0 $0x100000, s0  }
0x14e: {  	[sflag:s0] =	ssyncadd.tile.s32 @!p0 $0x1;
	_ =	shalt  }
.Lfunc_end2:
_tile_overlayer_lowered:
.L_overlay_start_2:
0x14f: {  	(tag) =	ssettag $0x2  }
0x150: {  	s0 =	rddreg [dreg:$0x0];
	s2 =	stileid.u32  }
0x151: {  	s1 =	rddreg [dreg:$0x1];
	p0 =	sne.s32 s2, $0x0  }
0x152: {  	s3 =	rddreg [dreg:$0x2];
	[bflag:$0x3] =	sbarrier.arrive $0xFFFF;
	s2 =	simm.s32 @!p0 $0x1C03  }
0x153: {  	[timem:s3], [sflag:s2] =	dma.local @!p0 [hbm:s0], s1  }
0x154: {  	s0 =	simm.s32 @!p0 $0x3  }
0x155: {  	_ =	swait.ge @!p0 [sflag:s0], s1  }
0x156: {  	s1 =	ssub.s32 @!p0 $0x0, s1;
	[sflag:s0] =	ssyncset.done @!p0 $0x0  }
0x157: {  	[sflag:s0] =	ssyncadd.s32 @!p0 s1  }
0x158: {  	[bflag:$0x3] =	sbarrier.arrive $0xFFFF  }
0x159: {  	_ =	shalt  }

</sc_bundles>
